<compile_context>
chip_gen: v7x
topology: tpu7x:2x2x1
jax: 0.10.2.dev20260603
libtpu: 0.0.44.dev20260713+nightly
codegen_flags: <defaults>
</compile_context>

<pallas_src>
import functools

import jax
import jax.numpy as jnp
from jax import lax
from jax.experimental import pallas as pl
from jax.experimental.pallas import tpu as pltpu
from jax.experimental.pallas import tpu_sc as plsc

_ALPHA = 0.25


def _softplus(x):
    return jnp.maximum(x, 0.0) + jnp.log1p(jnp.exp(-jnp.abs(x)))


def _sc_gather_kernel(gt_hbm, idx_hbm, out_hbm, tab_v, idx_v, rows_v):
    wid = lax.axis_index("c") * 16 + lax.axis_index("s")
    ch = idx_v.shape[0]
    b = wid // 2
    off = (wid % 2) * ch
    pltpu.sync_copy(gt_hbm.at[b], tab_v)
    pltpu.sync_copy(idx_hbm.at[b, pl.ds(off, ch)], idx_v)

    def body(i, carry):
        iv = idx_v[pl.ds(i * 16, 16)] * 4
        for c in range(4):
            rows_v[c, pl.ds(i * 16, 16)] = plsc.load_gather(tab_v, [iv + c])
        return carry

    lax.fori_loop(0, ch // 16, body, 0)
    pltpu.sync_copy(rows_v, out_hbm.at[b, :, pl.ds(off, ch)])


def _focal_kernel(cls_ref, tcls_ref, out_ref, accv_ref):
    i = pl.program_id(0)
    nsteps = pl.num_programs(0)

    @pl.when(i == 0)
    def _init():
        accv_ref[...] = jnp.zeros_like(accv_ref)

    xl = cls_ref[...]
    tl = tcls_ref[...]
    bce = jnp.log1p(jnp.exp(xl)) - xl * tl
    one_m_pt = 1.0 - jnp.exp(-bce)
    focal = one_m_pt * one_m_pt * bce
    ones = jnp.ones((1, focal.shape[0]), dtype=jnp.float32)
    accv_ref[...] += jnp.dot(ones, focal, preferred_element_type=jnp.float32)

    @pl.when(i == nsteps - 1)
    def _finalize():
        out_ref[0] = jnp.sum(accv_ref[...])


def _box_kernel(g_ref, pb_ref, pc_ref, gp_ref, mask_ref, fs_ref, out_ref):
    g0 = g_ref[:, 0, :]
    g1 = g_ref[:, 1, :]
    g2 = g_ref[:, 2, :]
    g3 = g_ref[:, 3, :]
    x = gp_ref[0:1, :]
    y = gp_ref[1:2, :]
    l = x - g0
    t = y - g1
    r = g2 - x
    bb = g3 - y
    ctr = jnp.sqrt(
        jnp.minimum(l, r) / jnp.maximum(jnp.maximum(l, r), 1e-6)
        * (jnp.minimum(t, bb) / jnp.maximum(jnp.maximum(t, bb), 1e-6)))
    mask = mask_ref[...]
    pc = pc_ref[:, 0, :]
    center_sum = jnp.sum((_softplus(pc) - pc * ctr) * mask)

    pred_cx = x + pb_ref[:, 0, :]
    pred_cy = y + pb_ref[:, 1, :]
    w = _softplus(jnp.exp(pb_ref[:, 2, :]))
    h = _softplus(jnp.exp(pb_ref[:, 3, :]))
    px0 = pred_cx - 0.5 * w
    py0 = pred_cy - 0.5 * h
    px1 = pred_cx + 0.5 * w
    py1 = pred_cy + 0.5 * h
    ixmin = jnp.maximum(px0, g0)
    iymin = jnp.maximum(py0, g1)
    ixmax = jnp.minimum(px1, g2)
    iymax = jnp.minimum(py1, g3)
    inter = (jnp.maximum(ixmax - ixmin, 0.0)
             * jnp.maximum(iymax - iymin, 0.0))
    pred_area = (px1 - px0) * (py1 - py0)
    gt_area = (g2 - g0) * (g3 - g1)
    union = pred_area + gt_area - inter + 1e-6
    iou = inter / (union + 1e-6)
    exmin = jnp.minimum(px0, g0)
    eymin = jnp.minimum(py0, g1)
    exmax = jnp.maximum(px1, g2)
    eymax = jnp.maximum(py1, g3)
    enclose = (jnp.maximum(exmax - exmin, 0.0)
               * jnp.maximum(eymax - eymin, 0.0) + 1e-6)
    giou = iou - (enclose - union) / (enclose + 1e-6)
    reg_sum = jnp.sum((1.0 - giou) * ctr * mask)

    denom = jnp.maximum(jnp.sum(mask), 1.0)
    loss_cls = _ALPHA * fs_ref[0] / denom
    loss_reg = reg_sum / denom
    loss_center = center_sum / denom
    out_ref[0] = loss_cls + 2.0 * loss_reg + loss_center
    out_ref[1] = loss_cls
    out_ref[2] = loss_reg
    out_ref[3] = loss_center


def kernel(pred_bboxes, pred_cls, pred_center, gt_boxes_xyxy, grid_points,
           target_cls, is_positive, matched_obj_idx):
    B, C, N = pred_cls.shape
    M = gt_boxes_xyxy.shape[1]
    STEPS = 8
    RC = (B * C) // STEPS
    CH = N // 2

    cls2 = pred_cls.reshape(B * C, N)
    tcls2 = target_cls.reshape(B * C, N)
    gt_flat = gt_boxes_xyxy.reshape(B, M * 4)
    gp_t = grid_points.T
    mask = is_positive.astype(jnp.float32)
    idx = matched_obj_idx.astype(jnp.int32)

    flat_gt = pl.kernel(
        _sc_gather_kernel,
        out_type=jax.ShapeDtypeStruct((B, 4, N), jnp.float32),
        mesh=plsc.VectorSubcoreMesh(core_axis_name="c", subcore_axis_name="s"),
        compiler_params=pltpu.CompilerParams(needs_layout_passes=False),
        scratch_types=[
            pltpu.VMEM((M * 4,), jnp.float32),
            pltpu.VMEM((CH,), jnp.int32),
            pltpu.VMEM((4, CH), jnp.float32),
        ],
    )(gt_flat, idx)

    focal_sum = pl.pallas_call(
        _focal_kernel,
        grid=(STEPS,),
        in_specs=[
            pl.BlockSpec((RC, N), lambda i: (i, 0)),
            pl.BlockSpec((RC, N), lambda i: (i, 0)),
        ],
        out_specs=pl.BlockSpec(memory_space=pltpu.SMEM,
                               block_shape=(1,), index_map=lambda i: (0,)),
        out_shape=jax.ShapeDtypeStruct((1,), jnp.float32),
        scratch_shapes=[pltpu.VMEM((1, N), jnp.float32)],
        compiler_params=pltpu.CompilerParams(
            dimension_semantics=("arbitrary",)),
    )(cls2, tcls2)

    out = pl.pallas_call(
        _box_kernel,
        in_specs=[
            pl.BlockSpec((B, 4, N), lambda: (0, 0, 0)),
            pl.BlockSpec((B, 4, N), lambda: (0, 0, 0)),
            pl.BlockSpec((B, 1, N), lambda: (0, 0, 0)),
            pl.BlockSpec((2, N), lambda: (0, 0)),
            pl.BlockSpec((B, N), lambda: (0, 0)),
            pl.BlockSpec(memory_space=pltpu.SMEM, block_shape=(1,),
                         index_map=lambda: (0,)),
        ],
        out_specs=pl.BlockSpec(memory_space=pltpu.SMEM,
                               block_shape=(4,), index_map=lambda: (0,)),
        out_shape=jax.ShapeDtypeStruct((4,), jnp.float32),
    )(flat_gt, pred_bboxes, pred_center, gp_t, mask, focal_sum)
    return (out[0], out[1], out[2], out[3])

# --- scband reference (transcript-rebuilt; emitter-appended) ---
"""Pipeline reference for scband-detection-loss-81200651698291 (READ-ONLY COPY).

The authoritative reference and input builder live on the scoring server;
editing this copy changes nothing except your own understanding.
"""

import jax, jax.numpy as jnp
import numpy as np


def _bce_with_logits(x, t):
    # BCEWithLogitsLoss(reduction='none'): log(1+e^x) - x*t (numerically stable)
    return jnp.logaddexp(0.0, x) - x * t


def setup_inputs(seed: int = 0) -> dict:
    key = jax.random.key(seed)
    ks = jax.random.split(key, 9)
    B, N, C, M = 16, 8192, 80, 64
    pred_bboxes = jax.random.normal(ks[0], (B, 4, N), dtype=jnp.float32) * 0.1
    pred_cls = jax.random.normal(ks[1], (B, C, N), dtype=jnp.float32)
    pred_center = jax.random.normal(ks[2], (B, 1, N), dtype=jnp.float32)
    # GT boxes constructed so every grid point lies strictly inside every box
    # (mins in [0,0.2), maxs in [0.8,1.0)); this keeps centerness targets valid (no NaN).
    mins = 0.2 * jax.random.uniform(ks[3], (B, M, 2), dtype=jnp.float32)
    maxs = 0.8 + 0.2 * jax.random.uniform(ks[4], (B, M, 2), dtype=jnp.float32)
    gt_boxes_xyxy = jnp.concatenate([mins, maxs], axis=-1)
    grid_points = 0.3 + 0.4 * jax.random.uniform(ks[5], (N, 2), dtype=jnp.float32)
    target_cls = jax.random.uniform(ks[6], (B, C, N), dtype=jnp.float32)
    is_positive = jax.random.randint(ks[7], (B, N), 0, 2).astype(bool)
    matched_obj_idx = jax.random.randint(ks[8], (B, N), 0, M)
    return {
        "pred_bboxes": pred_bboxes,
        "pred_cls": pred_cls,
        "pred_center": pred_center,
        "gt_boxes_xyxy": gt_boxes_xyxy,
        "grid_points": grid_points,
        "target_cls": target_cls,
        "is_positive": is_positive,
        "matched_obj_idx": matched_obj_idx,
    }


def _forward(pred_bboxes, pred_cls, pred_center, gt_boxes_xyxy, grid_points, target_cls, is_positive, matched_obj_idx):
    alpha, gamma = 0.25, 2.0
    # focal classification loss
    bce_loss = _bce_with_logits(pred_cls, target_cls)
    pt = jnp.exp(-bce_loss)
    focal = alpha * (1.0 - pt) ** gamma * bce_loss
    npos = is_positive.sum().astype(jnp.float32)
    loss_cls = focal.sum() / jnp.maximum(1.0, npos)

    B = pred_bboxes.shape[0]
    mask = is_positive.reshape(-1).astype(jnp.float32)
    denom = jnp.maximum(mask.sum(), 1.0)

    flat_pb = jnp.transpose(pred_bboxes, (0, 2, 1)).reshape(-1, 4)
    flat_pc = jnp.transpose(pred_center, (0, 2, 1)).reshape(-1)
    # gather matched GT boxes for every location (masked later; equivalent to
    # torch's boolean-index gather since means/sums only cover positives)
    flat_gt = gt_boxes_xyxy[jnp.arange(B)[:, None], matched_obj_idx].reshape(-1, 4)
    flat_gp = jnp.tile(grid_points, (B, 1))

    x = flat_gp[:, 0]
    y = flat_gp[:, 1]
    l = x - flat_gt[:, 0]
    t = y - flat_gt[:, 1]
    r = flat_gt[:, 2] - x
    b = flat_gt[:, 3] - y
    ctr = jnp.sqrt(
        jnp.minimum(l, r) / jnp.maximum(jnp.maximum(l, r), 1e-6)
        * (jnp.minimum(t, b) / jnp.maximum(jnp.maximum(t, b), 1e-6))
    )
    loss_center = (_bce_with_logits(flat_pc, ctr) * mask).sum() / denom

    # decode predicted boxes
    pred_cx = x + flat_pb[:, 0]
    pred_cy = y + flat_pb[:, 1]
    pred_w = jnp.exp(flat_pb[:, 2])
    pred_h = jnp.exp(flat_pb[:, 3])
    # cxcywh_to_xyxy applies softplus to w,h
    w = jnp.logaddexp(0.0, pred_w)
    h = jnp.logaddexp(0.0, pred_h)
    px0 = pred_cx - w / 2
    py0 = pred_cy - h / 2
    px1 = pred_cx + w / 2
    py1 = pred_cy + h / 2

    ixmin = jnp.maximum(px0, flat_gt[:, 0])
    iymin = jnp.maximum(py0, flat_gt[:, 1])
    ixmax = jnp.minimum(px1, flat_gt[:, 2])
    iymax = jnp.minimum(py1, flat_gt[:, 3])
    inter = jnp.maximum(ixmax - ixmin, 0.0) * jnp.maximum(iymax - iymin, 0.0)
    pred_area = (px1 - px0) * (py1 - py0)
    gt_area = (flat_gt[:, 2] - flat_gt[:, 0]) * (flat_gt[:, 3] - flat_gt[:, 1])
    union = pred_area + gt_area - inter + 1e-6
    iou = inter / (union + 1e-6)
    exmin = jnp.minimum(px0, flat_gt[:, 0])
    eymin = jnp.minimum(py0, flat_gt[:, 1])
    exmax = jnp.maximum(px1, flat_gt[:, 2])
    eymax = jnp.maximum(py1, flat_gt[:, 3])
    enclose = jnp.maximum(exmax - exmin, 0.0) * jnp.maximum(eymax - eymin, 0.0) + 1e-6
    giou = iou - (enclose - union) / (enclose + 1e-6)
    loss_giou = 1.0 - giou
    loss_reg = (loss_giou * ctr * mask).sum() / denom

    total = 1.0 * loss_cls + 2.0 * loss_reg + 1.0 * loss_center
    return (total, loss_cls, loss_reg, loss_center)


def reference(pred_bboxes, pred_cls, pred_center, gt_boxes_xyxy, grid_points, target_cls, is_positive, matched_obj_idx):
    return _forward(pred_bboxes, pred_cls, pred_center, gt_boxes_xyxy, grid_points, target_cls, is_positive, matched_obj_idx)

if __name__ == "__main__":
    import jax
    _d = setup_inputs()
    print(jax.jit(kernel)(*tuple(_d.values())))

</pallas_src>

<mosaic_0001>
#map = affine_map<(d0, d1) -> (0, 0)>
#map1 = affine_map<(d0, d1) -> (0, 0, 0)>
module attributes {stable_mosaic.version = 14 : i64} {
  func.func @_sc_gather_kernel(%arg0: i32, %arg1: i32, %arg2: memref<16x256xf32, #tpu.memory_space<hbm>>, %arg3: memref<16x8192xi32, #tpu.memory_space<hbm>>, %arg4: memref<16x4x8192xf32, #tpu.memory_space<hbm>>, %arg5: memref<256xf32, #tpu.memory_space<vmem>>, %arg6: memref<4096xi32, #tpu.memory_space<vmem>>, %arg7: memref<4x4096xf32, #tpu.memory_space<vmem>>) attributes {dimension_semantics = [#tpu.dimension_semantics<core_parallel>, #tpu.dimension_semantics<subcore_parallel>], iteration_bounds = array<i64: 2, 16>, scalar_prefetch = 0 : i64, scratch_operands = 3 : i64, tpu.core_type = #tpu.core_type<sc_vector_subcore>, window_params = [{transform_indices = #map}, {transform_indices = #map}, {transform_indices = #map1}]} {
    %mul3A = arith.constant 16 : i32
    %mul3A_0 = arith.muli %arg0, %mul3A : i32
    %add3A = arith.addi %mul3A_0, %arg1 : i32
    %jit3A = arith.constant 2 : i32
    %div3A = arith.divsi %add3A, %jit3A : i32
    %sign3A = arith.constant 0 : i32
    %sign3A_1 = arith.cmpi sgt, %add3A, %sign3A : i32
    %sign3A_2 = arith.extui %sign3A_1 : i1 to i32
    %sign3A_3 = arith.constant 0 : i32
    %sign3A_4 = arith.cmpi slt, %add3A, %sign3A_3 : i32
    %sign3A_5 = arith.extui %sign3A_4 : i1 to i32
    %sign3A_6 = arith.subi %sign3A_2, %sign3A_5 : i32
    %sign3A_7 = arith.constant 0 : i32
    %sign3A_8 = arith.cmpi sgt, %jit3A, %sign3A_7 : i32
    %sign3A_9 = arith.extui %sign3A_8 : i1 to i32
    %sign3A_10 = arith.constant 0 : i32
    %sign3A_11 = arith.cmpi slt, %jit3A, %sign3A_10 : i32
    %sign3A_12 = arith.extui %sign3A_11 : i1 to i32
    %sign3A_13 = arith.subi %sign3A_9, %sign3A_12 : i32
    %ne3A = arith.cmpi ne, %sign3A_6, %sign3A_13 : i32
    %rem3A = arith.remsi %add3A, %jit3A : i32
    %ne3A_14 = arith.constant 0 : i32
    %ne3A_15 = arith.cmpi ne, %rem3A, %ne3A_14 : i32
    %and3A = arith.andi %ne3A, %ne3A_15 : i1
    %sub3A = arith.constant 1 : i32
    %sub3A_16 = arith.subi %div3A, %sub3A : i32
    %select_n3A = arith.select %and3A, %sub3A_16, %div3A : i32
    %jit3A_17 = arith.constant 2 : i32
    %eq3A = arith.constant 0 : i32
    %eq3A_18 = arith.cmpi eq, %jit3A_17, %eq3A : i32
    %jit3A_19 = arith.constant 1 : i32
    %select_n3A_20 = arith.select %eq3A_18, %jit3A_19, %jit3A_17 : i32
    %rem3A_21 = arith.remsi %add3A, %select_n3A_20 : i32
    %ne3A_22 = arith.constant 0 : i32
    %ne3A_23 = arith.cmpi ne, %rem3A_21, %ne3A_22 : i32
    %lt3A = arith.constant 0 : i32
    %lt3A_24 = arith.cmpi slt, %rem3A_21, %lt3A : i32
    %lt3A_25 = arith.constant 0 : i32
    %lt3A_26 = arith.cmpi slt, %select_n3A_20, %lt3A_25 : i32
    %ne3A_27 = arith.xori %lt3A_24, %lt3A_26 : i1
    %and3A_28 = arith.andi %ne3A_27, %ne3A_23 : i1
    %add3A_29 = arith.addi %rem3A_21, %select_n3A_20 : i32
    %select_n3A_30 = arith.select %and3A_28, %add3A_29, %rem3A_21 : i32
    %mul3A_31 = arith.constant 4096 : i32
    %mul3A_32 = arith.muli %select_n3A_30, %mul3A_31 : i32
    "tpu.region"() ({
      %run_scoped3A = tpu.sem_alloc : memref<!tpu.dma_semaphore, #tpu.memory_space<semaphore_mem>>
      %dma_start3A = arith.constant 0 : i32
      %dma_start3A_38 = tpu.memref_slice %arg2[%select_n3A, %dma_start3A] : memref<16x256xf32, #tpu.memory_space<hbm>> -> memref<1x256xf32, #tpu.memory_space<hbm>>
      %dma_start3A_39 = tpu.memref_squeeze %dma_start3A_38 : memref<1x256xf32, #tpu.memory_space<hbm>> -> memref<256xf32, #tpu.memory_space<hbm>>
      %dma_start3A_40 = arith.constant 0 : i32
      %dma_start3A_41 = tpu.memref_slice %arg2[%select_n3A, %dma_start3A_40] : memref<16x256xf32, #tpu.memory_space<hbm>> -> memref<1x256xf32, #tpu.memory_space<hbm>>
      %dma_start3A_42 = tpu.memref_squeeze %dma_start3A_41 : memref<1x256xf32, #tpu.memory_space<hbm>> -> memref<256xf32, #tpu.memory_space<hbm>>
      tpu.enqueue_dma source(%dma_start3A_42 : memref<256xf32, #tpu.memory_space<hbm>>) target(%arg5 : memref<256xf32, #tpu.memory_space<vmem>>) target_semaphore(%run_scoped3A : memref<!tpu.dma_semaphore, #tpu.memory_space<semaphore_mem>>)
      %dma_wait3A = arith.constant 0 : i32
      %dma_wait3A_43 = tpu.memref_slice %arg2[%select_n3A, %dma_wait3A] : memref<16x256xf32, #tpu.memory_space<hbm>> -> memref<1x256xf32, #tpu.memory_space<hbm>>
      %dma_wait3A_44 = tpu.memref_squeeze %dma_wait3A_43 : memref<1x256xf32, #tpu.memory_space<hbm>> -> memref<256xf32, #tpu.memory_space<hbm>>
      %dma_wait3A_45 = arith.constant 0 : i32
      %dma_wait3A_46 = tpu.memref_slice %arg2[%select_n3A, %dma_wait3A_45] : memref<16x256xf32, #tpu.memory_space<hbm>> -> memref<1x256xf32, #tpu.memory_space<hbm>>
      %dma_wait3A_47 = tpu.memref_squeeze %dma_wait3A_46 : memref<1x256xf32, #tpu.memory_space<hbm>> -> memref<256xf32, #tpu.memory_space<hbm>>
      tpu.wait_dma2 semaphore(%run_scoped3A : memref<!tpu.dma_semaphore, #tpu.memory_space<semaphore_mem>>) src(%dma_wait3A_47 : memref<256xf32, #tpu.memory_space<hbm>>) dst(%arg5 : memref<256xf32, #tpu.memory_space<vmem>>)
      tpu.yield
    }) : () -> ()
    "tpu.region"() ({
      %run_scoped3A = tpu.sem_alloc : memref<!tpu.dma_semaphore, #tpu.memory_space<semaphore_mem>>
      %dma_start3A = tpu.memref_slice %arg3[%select_n3A, %mul3A_32] : memref<16x8192xi32, #tpu.memory_space<hbm>> -> memref<1x4096xi32, #tpu.memory_space<hbm>>
      %dma_start3A_38 = tpu.memref_squeeze %dma_start3A : memref<1x4096xi32, #tpu.memory_space<hbm>> -> memref<4096xi32, #tpu.memory_space<hbm>>
      %dma_start3A_39 = tpu.memref_slice %arg3[%select_n3A, %mul3A_32] : memref<16x8192xi32, #tpu.memory_space<hbm>> -> memref<1x4096xi32, #tpu.memory_space<hbm>>
      %dma_start3A_40 = tpu.memref_squeeze %dma_start3A_39 : memref<1x4096xi32, #tpu.memory_space<hbm>> -> memref<4096xi32, #tpu.memory_space<hbm>>
      tpu.enqueue_dma source(%dma_start3A_40 : memref<4096xi32, #tpu.memory_space<hbm>>) target(%arg6 : memref<4096xi32, #tpu.memory_space<vmem>>) target_semaphore(%run_scoped3A : memref<!tpu.dma_semaphore, #tpu.memory_space<semaphore_mem>>)
      %dma_wait3A = tpu.memref_slice %arg3[%select_n3A, %mul3A_32] : memref<16x8192xi32, #tpu.memory_space<hbm>> -> memref<1x4096xi32, #tpu.memory_space<hbm>>
      %dma_wait3A_41 = tpu.memref_squeeze %dma_wait3A : memref<1x4096xi32, #tpu.memory_space<hbm>> -> memref<4096xi32, #tpu.memory_space<hbm>>
      %dma_wait3A_42 = tpu.memref_slice %arg3[%select_n3A, %mul3A_32] : memref<16x8192xi32, #tpu.memory_space<hbm>> -> memref<1x4096xi32, #tpu.memory_space<hbm>>
      %dma_wait3A_43 = tpu.memref_squeeze %dma_wait3A_42 : memref<1x4096xi32, #tpu.memory_space<hbm>> -> memref<4096xi32, #tpu.memory_space<hbm>>
      tpu.wait_dma2 semaphore(%run_scoped3A : memref<!tpu.dma_semaphore, #tpu.memory_space<semaphore_mem>>) src(%dma_wait3A_43 : memref<4096xi32, #tpu.memory_space<hbm>>) dst(%arg6 : memref<4096xi32, #tpu.memory_space<vmem>>)
      tpu.yield
    }) : () -> ()
    %scan3A = arith.constant 0 : i32
    %scan3A_33 = arith.constant 0 : i32
    %scan3A_34 = arith.constant 256 : i32
    %scan3A_35 = arith.addi %scan3A_33, %scan3A_34 : i32
    %scan3A_36 = arith.constant 1 : i32
    scf.for %scan3A_38 = %scan3A_33 to %scan3A_35 step %scan3A_36  : i32 {
      %mul3A_39 = arith.constant 16 : i32
      %mul3A_40 = arith.muli %scan3A_38, %mul3A_39 : i32
      %get3A = arith.index_cast %mul3A_40 : i32 to index
      %get3A_41 = tpu.vector_load %arg6[%get3A] {strides = array<i32>} : memref<4096xi32, #tpu.memory_space<vmem>>, vector<16xi32>,
      %mul3A_42 = arith.constant 4 : i32
      %mul3A_43 = vector.broadcast %mul3A_42 : i32 to vector<16xi32>
      %mul3A_44 = arith.muli %get3A_41, %mul3A_43 : vector<16xi32>
      %add3A_45 = arith.constant 0 : i32
      %add3A_46 = vector.broadcast %add3A_45 : i32 to vector<16xi32>
      %add3A_47 = arith.addi %mul3A_44, %add3A_46 : vector<16xi32>
      %gather3A = tpu.vector_load_idx %arg5[%add3A_47] : memref<256xf32, #tpu.memory_space<vmem>>[vector<16xi32>], vector<16xf32>,
      %mul3A_48 = arith.constant 16 : i32
      %mul3A_49 = arith.muli %scan3A_38, %mul3A_48 : i32
      %swap3A = arith.constant 0 : i32
      %swap3A_50 = arith.index_cast %swap3A : i32 to index
      %swap3A_51 = arith.index_cast %mul3A_49 : i32 to index
      %swap3A_52 = tpu.vector_load %arg7[%swap3A_50, %swap3A_51] {strides = array<i32>} : memref<4x4096xf32, #tpu.memory_space<vmem>>, vector<16xf32>,
      tpu.vector_store %arg7[%swap3A_50, %swap3A_51], %gather3A {strides = array<i32>} : memref<4x4096xf32, #tpu.memory_space<vmem>>, vector<16xf32>,
      %add3A_53 = arith.constant 1 : i32
      %add3A_54 = vector.broadcast %add3A_53 : i32 to vector<16xi32>
      %add3A_55 = arith.addi %mul3A_44, %add3A_54 : vector<16xi32>
      %gather3A_56 = tpu.vector_load_idx %arg5[%add3A_55] : memref<256xf32, #tpu.memory_space<vmem>>[vector<16xi32>], vector<16xf32>,
      %mul3A_57 = arith.constant 16 : i32
      %mul3A_58 = arith.muli %scan3A_38, %mul3A_57 : i32
      %swap3A_59 = arith.constant 1 : i32
      %swap3A_60 = arith.index_cast %swap3A_59 : i32 to index
      %swap3A_61 = arith.index_cast %mul3A_58 : i32 to index
      %swap3A_62 = tpu.vector_load %arg7[%swap3A_60, %swap3A_61] {strides = array<i32>} : memref<4x4096xf32, #tpu.memory_space<vmem>>, vector<16xf32>,
      tpu.vector_store %arg7[%swap3A_60, %swap3A_61], %gather3A_56 {strides = array<i32>} : memref<4x4096xf32, #tpu.memory_space<vmem>>, vector<16xf32>,
      %add3A_63 = arith.constant 2 : i32
      %add3A_64 = vector.broadcast %add3A_63 : i32 to vector<16xi32>
      %add3A_65 = arith.addi %mul3A_44, %add3A_64 : vector<16xi32>
      %gather3A_66 = tpu.vector_load_idx %arg5[%add3A_65] : memref<256xf32, #tpu.memory_space<vmem>>[vector<16xi32>], vector<16xf32>,
      %mul3A_67 = arith.constant 16 : i32
      %mul3A_68 = arith.muli %scan3A_38, %mul3A_67 : i32
      %swap3A_69 = arith.constant 2 : i32
      %swap3A_70 = arith.index_cast %swap3A_69 : i32 to index
      %swap3A_71 = arith.index_cast %mul3A_68 : i32 to index
      %swap3A_72 = tpu.vector_load %arg7[%swap3A_70, %swap3A_71] {strides = array<i32>} : memref<4x4096xf32, #tpu.memory_space<vmem>>, vector<16xf32>,
      tpu.vector_store %arg7[%swap3A_70, %swap3A_71], %gather3A_66 {strides = array<i32>} : memref<4x4096xf32, #tpu.memory_space<vmem>>, vector<16xf32>,
      %add3A_73 = arith.constant 3 : i32
      %add3A_74 = vector.broadcast %add3A_73 : i32 to vector<16xi32>
      %add3A_75 = arith.addi %mul3A_44, %add3A_74 : vector<16xi32>
      %gather3A_76 = tpu.vector_load_idx %arg5[%add3A_75] : memref<256xf32, #tpu.memory_space<vmem>>[vector<16xi32>], vector<16xf32>,
      %mul3A_77 = arith.constant 16 : i32
      %mul3A_78 = arith.muli %scan3A_38, %mul3A_77 : i32
      %swap3A_79 = arith.constant 3 : i32
      %swap3A_80 = arith.index_cast %swap3A_79 : i32 to index
      %swap3A_81 = arith.index_cast %mul3A_78 : i32 to index
      %swap3A_82 = tpu.vector_load %arg7[%swap3A_80, %swap3A_81] {strides = array<i32>} : memref<4x4096xf32, #tpu.memory_space<vmem>>, vector<16xf32>,
      tpu.vector_store %arg7[%swap3A_80, %swap3A_81], %gather3A_76 {strides = array<i32>} : memref<4x4096xf32, #tpu.memory_space<vmem>>, vector<16xf32>,
    }
    %scan3A_37 = arith.constant 256 : i32
    "tpu.region"() ({
      %run_scoped3A = tpu.sem_alloc : memref<!tpu.dma_semaphore, #tpu.memory_space<semaphore_mem>>
      %dma_start3A = arith.constant 0 : i32
      %dma_start3A_38 = tpu.memref_slice %arg4[%select_n3A, %dma_start3A, %mul3A_32] : memref<16x4x8192xf32, #tpu.memory_space<hbm>> -> memref<1x4x4096xf32, #tpu.memory_space<hbm>>
      %dma_start3A_39 = tpu.memref_squeeze %dma_start3A_38 : memref<1x4x4096xf32, #tpu.memory_space<hbm>> -> memref<4x4096xf32, #tpu.memory_space<hbm>>
      %dma_start3A_40 = arith.constant 0 : i32
      %dma_start3A_41 = tpu.memref_slice %arg4[%select_n3A, %dma_start3A_40, %mul3A_32] : memref<16x4x8192xf32, #tpu.memory_space<hbm>> -> memref<1x4x4096xf32, #tpu.memory_space<hbm>>
      %dma_start3A_42 = tpu.memref_squeeze %dma_start3A_41 : memref<1x4x4096xf32, #tpu.memory_space<hbm>> -> memref<4x4096xf32, #tpu.memory_space<hbm>>
      tpu.enqueue_dma source(%arg7 : memref<4x4096xf32, #tpu.memory_space<vmem>>) target(%dma_start3A_42 : memref<4x4096xf32, #tpu.memory_space<hbm>>) target_semaphore(%run_scoped3A : memref<!tpu.dma_semaphore, #tpu.memory_space<semaphore_mem>>)
      %dma_wait3A = arith.constant 0 : i32
      %dma_wait3A_43 = tpu.memref_slice %arg4[%select_n3A, %dma_wait3A, %mul3A_32] : memref<16x4x8192xf32, #tpu.memory_space<hbm>> -> memref<1x4x4096xf32, #tpu.memory_space<hbm>>
      %dma_wait3A_44 = tpu.memref_squeeze %dma_wait3A_43 : memref<1x4x4096xf32, #tpu.memory_space<hbm>> -> memref<4x4096xf32, #tpu.memory_space<hbm>>
      %dma_wait3A_45 = arith.constant 0 : i32
      %dma_wait3A_46 = tpu.memref_slice %arg4[%select_n3A, %dma_wait3A_45, %mul3A_32] : memref<16x4x8192xf32, #tpu.memory_space<hbm>> -> memref<1x4x4096xf32, #tpu.memory_space<hbm>>
      %dma_wait3A_47 = tpu.memref_squeeze %dma_wait3A_46 : memref<1x4x4096xf32, #tpu.memory_space<hbm>> -> memref<4x4096xf32, #tpu.memory_space<hbm>>
      tpu.wait_dma2 semaphore(%run_scoped3A : memref<!tpu.dma_semaphore, #tpu.memory_space<semaphore_mem>>) src(%arg7 : memref<4x4096xf32, #tpu.memory_space<vmem>>) dst(%dma_wait3A_47 : memref<4x4096xf32, #tpu.memory_space<hbm>>)
      tpu.yield
    }) : () -> ()
    return
  }
}

module attributes {stable_mosaic.version = 14 : i64} {
  func.func @_box_kernel(%arg0: memref<16x4x8192xf32, #tpu.memory_space<vmem>>, %arg1: memref<16x4x8192xf32, #tpu.memory_space<vmem>>, %arg2: memref<16x1x8192xf32, #tpu.memory_space<vmem>>, %arg3: memref<2x8192xf32, #tpu.memory_space<vmem>>, %arg4: memref<16x8192xf32, #tpu.memory_space<vmem>>, %arg5: memref<1xf32, #tpu.memory_space<smem>>, %arg6: memref<4xf32, #tpu.memory_space<smem>>) attributes {dimension_semantics = [], scalar_prefetch = 0 : i64, scratch_operands = 0 : i64, tpu.core_type = #tpu.core_type<tc>} {
    %get3A = arith.constant 0 : index
    %get3A_0 = arith.constant 0 : index
    %get3A_1 = arith.constant 0 : index
    %get3A_2 = vector.load %arg0[%get3A, %get3A_0, %get3A_1] : memref<16x4x8192xf32, #tpu.memory_space<vmem>>, vector<16x1x8192xf32>
    %get3A_3 = vector.shape_cast %get3A_2 : vector<16x1x8192xf32> to vector<16x8192xf32>
    %get3A_4 = arith.constant 0 : index
    %get3A_5 = arith.constant 1 : index
    %get3A_6 = arith.constant 0 : index
    %get3A_7 = vector.load %arg0[%get3A_4, %get3A_5, %get3A_6] : memref<16x4x8192xf32, #tpu.memory_space<vmem>>, vector<16x1x8192xf32>
    %get3A_8 = vector.shape_cast %get3A_7 : vector<16x1x8192xf32> to vector<16x8192xf32>
    %get3A_9 = arith.constant 0 : index
    %get3A_10 = arith.constant 2 : index
    %get3A_11 = arith.constant 0 : index
    %get3A_12 = vector.load %arg0[%get3A_9, %get3A_10, %get3A_11] : memref<16x4x8192xf32, #tpu.memory_space<vmem>>, vector<16x1x8192xf32>
    %get3A_13 = vector.shape_cast %get3A_12 : vector<16x1x8192xf32> to vector<16x8192xf32>
    %get3A_14 = arith.constant 0 : index
    %get3A_15 = arith.constant 3 : index
    %get3A_16 = arith.constant 0 : index
    %get3A_17 = vector.load %arg0[%get3A_14, %get3A_15, %get3A_16] : memref<16x4x8192xf32, #tpu.memory_space<vmem>>, vector<16x1x8192xf32>
    %get3A_18 = vector.shape_cast %get3A_17 : vector<16x1x8192xf32> to vector<16x8192xf32>
    %get3A_19 = arith.constant 0 : index
    %get3A_20 = arith.constant 0 : index
    %get3A_21 = vector.load %arg3[%get3A_19, %get3A_20] : memref<2x8192xf32, #tpu.memory_space<vmem>>, vector<1x8192xf32>
    %get3A_22 = arith.constant 1 : index
    %get3A_23 = arith.constant 0 : index
    %get3A_24 = vector.load %arg3[%get3A_22, %get3A_23] : memref<2x8192xf32, #tpu.memory_space<vmem>>, vector<1x8192xf32>
    %sub3A = vector.broadcast %get3A_21 : vector<1x8192xf32> to vector<16x8192xf32>
    %sub3A_25 = arith.subf %sub3A, %get3A_3 : vector<16x8192xf32>
    %sub3A_26 = vector.broadcast %get3A_24 : vector<1x8192xf32> to vector<16x8192xf32>
    %sub3A_27 = arith.subf %sub3A_26, %get3A_8 : vector<16x8192xf32>
    %sub3A_28 = vector.broadcast %get3A_21 : vector<1x8192xf32> to vector<16x8192xf32>
    %sub3A_29 = arith.subf %get3A_13, %sub3A_28 : vector<16x8192xf32>
    %sub3A_30 = vector.broadcast %get3A_24 : vector<1x8192xf32> to vector<16x8192xf32>
    %sub3A_31 = arith.subf %get3A_18, %sub3A_30 : vector<16x8192xf32>
    %min3A = arith.minimumf %sub3A_25, %sub3A_29 : vector<16x8192xf32>
    %max3A = arith.maximumf %sub3A_25, %sub3A_29 : vector<16x8192xf32>
    %max3A_32 = arith.constant 9.99999997E-7 : f32
    %max3A_33 = vector.broadcast %max3A_32 : f32 to vector<16x8192xf32>
    %max3A_34 = arith.maximumf %max3A, %max3A_33 : vector<16x8192xf32>
    %div3A = arith.divf %min3A, %max3A_34 : vector<16x8192xf32>
    %min3A_35 = arith.minimumf %sub3A_27, %sub3A_31 : vector<16x8192xf32>
    %max3A_36 = arith.maximumf %sub3A_27, %sub3A_31 : vector<16x8192xf32>
    %max3A_37 = arith.constant 9.99999997E-7 : f32
    %max3A_38 = vector.broadcast %max3A_37 : f32 to vector<16x8192xf32>
    %max3A_39 = arith.maximumf %max3A_36, %max3A_38 : vector<16x8192xf32>
    %div3A_40 = arith.divf %min3A_35, %max3A_39 : vector<16x8192xf32>
    %mul3A = arith.mulf %div3A, %div3A_40 : vector<16x8192xf32>
    %sqrt3A = math.sqrt %mul3A : vector<16x8192xf32>
    %get3A_41 = arith.constant 0 : index
    %get3A_42 = arith.constant 0 : index
    %get3A_43 = vector.load %arg4[%get3A_41, %get3A_42] : memref<16x8192xf32, #tpu.memory_space<vmem>>, vector<16x8192xf32>
    %get3A_44 = arith.constant 0 : index
    %get3A_45 = arith.constant 0 : index
    %get3A_46 = arith.constant 0 : index
    %get3A_47 = vector.load %arg2[%get3A_44, %get3A_45, %get3A_46] : memref<16x1x8192xf32, #tpu.memory_space<vmem>>, vector<16x1x8192xf32>
    %get3A_48 = vector.shape_cast %get3A_47 : vector<16x1x8192xf32> to vector<16x8192xf32>
    %max3A_49 = arith.constant 0.000000e+00 : f32
    %max3A_50 = vector.broadcast %max3A_49 : f32 to vector<16x8192xf32>
    %max3A_51 = arith.maximumf %get3A_48, %max3A_50 : vector<16x8192xf32>
    %abs3A = math.absf %get3A_48 : vector<16x8192xf32>
    %neg3A = arith.constant 0.000000e+00 : f32
    %neg3A_52 = vector.broadcast %neg3A : f32 to vector<16x8192xf32>
    %neg3A_53 = arith.subf %neg3A_52, %abs3A : vector<16x8192xf32>
    %exp3A = math.exp %neg3A_53 : vector<16x8192xf32>
    %log1p3A = math.log1p %exp3A : vector<16x8192xf32>
    %add3A = arith.addf %max3A_51, %log1p3A : vector<16x8192xf32>
    %mul3A_54 = arith.mulf %get3A_48, %sqrt3A : vector<16x8192xf32>
    %sub3A_55 = arith.subf %add3A, %mul3A_54 : vector<16x8192xf32>
    %mul3A_56 = arith.mulf %sub3A_55, %get3A_43 : vector<16x8192xf32>
    %reduce_sum3A = vector.shape_cast %mul3A_56 : vector<16x8192xf32> to vector<1x16x8192xf32>
    %reduce_sum3A_57 = arith.constant dense<0.000000e+00> : vector<1xf32>
    %reduce_sum3A_58 = vector.multi_reduction <add>, %reduce_sum3A, %reduce_sum3A_57 [1, 2] : vector<1x16x8192xf32> to vector<1xf32>
    %reduce_sum3A_59 = vector.shape_cast %reduce_sum3A_58 : vector<1xf32> to vector<1x1x1xf32>
    %reduce_sum3A_60 = vector.extract %reduce_sum3A_59[0, 0, 0] : f32 from vector<1x1x1xf32>
    %get3A_61 = arith.constant 0 : index
    %get3A_62 = arith.constant 0 : index
    %get3A_63 = arith.constant 0 : index
    %get3A_64 = vector.load %arg1[%get3A_61, %get3A_62, %get3A_63] : memref<16x4x8192xf32, #tpu.memory_space<vmem>>, vector<16x1x8192xf32>
    %get3A_65 = vector.shape_cast %get3A_64 : vector<16x1x8192xf32> to vector<16x8192xf32>
    %add3A_66 = vector.broadcast %get3A_21 : vector<1x8192xf32> to vector<16x8192xf32>
    %add3A_67 = arith.addf %add3A_66, %get3A_65 : vector<16x8192xf32>
    %get3A_68 = arith.constant 0 : index
    %get3A_69 = arith.constant 1 : index
    %get3A_70 = arith.constant 0 : index
    %get3A_71 = vector.load %arg1[%get3A_68, %get3A_69, %get3A_70] : memref<16x4x8192xf32, #tpu.memory_space<vmem>>, vector<16x1x8192xf32>
    %get3A_72 = vector.shape_cast %get3A_71 : vector<16x1x8192xf32> to vector<16x8192xf32>
    %add3A_73 = vector.broadcast %get3A_24 : vector<1x8192xf32> to vector<16x8192xf32>
    %add3A_74 = arith.addf %add3A_73, %get3A_72 : vector<16x8192xf32>
    %get3A_75 = arith.constant 0 : index
    %get3A_76 = arith.constant 2 : index
    %get3A_77 = arith.constant 0 : index
    %get3A_78 = vector.load %arg1[%get3A_75, %get3A_76, %get3A_77] : memref<16x4x8192xf32, #tpu.memory_space<vmem>>, vector<16x1x8192xf32>
    %get3A_79 = vector.shape_cast %get3A_78 : vector<16x1x8192xf32> to vector<16x8192xf32>
    %exp3A_80 = math.exp %get3A_79 : vector<16x8192xf32>
    %max3A_81 = arith.constant 0.000000e+00 : f32
    %max3A_82 = vector.broadcast %max3A_81 : f32 to vector<16x8192xf32>
    %max3A_83 = arith.maximumf %exp3A_80, %max3A_82 : vector<16x8192xf32>
    %abs3A_84 = math.absf %exp3A_80 : vector<16x8192xf32>
    %neg3A_85 = arith.constant 0.000000e+00 : f32
    %neg3A_86 = vector.broadcast %neg3A_85 : f32 to vector<16x8192xf32>
    %neg3A_87 = arith.subf %neg3A_86, %abs3A_84 : vector<16x8192xf32>
    %exp3A_88 = math.exp %neg3A_87 : vector<16x8192xf32>
    %log1p3A_89 = math.log1p %exp3A_88 : vector<16x8192xf32>
    %add3A_90 = arith.addf %max3A_83, %log1p3A_89 : vector<16x8192xf32>
    %get3A_91 = arith.constant 0 : index
    %get3A_92 = arith.constant 3 : index
    %get3A_93 = arith.constant 0 : index
    %get3A_94 = vector.load %arg1[%get3A_91, %get3A_92, %get3A_93] : memref<16x4x8192xf32, #tpu.memory_space<vmem>>, vector<16x1x8192xf32>
    %get3A_95 = vector.shape_cast %get3A_94 : vector<16x1x8192xf32> to vector<16x8192xf32>
    %exp3A_96 = math.exp %get3A_95 : vector<16x8192xf32>
    %max3A_97 = arith.constant 0.000000e+00 : f32
    %max3A_98 = vector.broadcast %max3A_97 : f32 to vector<16x8192xf32>
    %max3A_99 = arith.maximumf %exp3A_96, %max3A_98 : vector<16x8192xf32>
    %abs3A_100 = math.absf %exp3A_96 : vector<16x8192xf32>
    %neg3A_101 = arith.constant 0.000000e+00 : f32
    %neg3A_102 = vector.broadcast %neg3A_101 : f32 to vector<16x8192xf32>
    %neg3A_103 = arith.subf %neg3A_102, %abs3A_100 : vector<16x8192xf32>
    %exp3A_104 = math.exp %neg3A_103 : vector<16x8192xf32>
    %log1p3A_105 = math.log1p %exp3A_104 : vector<16x8192xf32>
    %add3A_106 = arith.addf %max3A_99, %log1p3A_105 : vector<16x8192xf32>
    %mul3A_107 = arith.constant 5.000000e-01 : f32
    %mul3A_108 = vector.broadcast %mul3A_107 : f32 to vector<16x8192xf32>
    %mul3A_109 = arith.mulf %mul3A_108, %add3A_90 : vector<16x8192xf32>
    %sub3A_110 = arith.subf %add3A_67, %mul3A_109 : vector<16x8192xf32>
    %mul3A_111 = arith.constant 5.000000e-01 : f32
    %mul3A_112 = vector.broadcast %mul3A_111 : f32 to vector<16x8192xf32>
    %mul3A_113 = arith.mulf %mul3A_112, %add3A_106 : vector<16x8192xf32>
    %sub3A_114 = arith.subf %add3A_74, %mul3A_113 : vector<16x8192xf32>
    %mul3A_115 = arith.constant 5.000000e-01 : f32
    %mul3A_116 = vector.broadcast %mul3A_115 : f32 to vector<16x8192xf32>
    %mul3A_117 = arith.mulf %mul3A_116, %add3A_90 : vector<16x8192xf32>
    %add3A_118 = arith.addf %add3A_67, %mul3A_117 : vector<16x8192xf32>
    %mul3A_119 = arith.constant 5.000000e-01 : f32
    %mul3A_120 = vector.broadcast %mul3A_119 : f32 to vector<16x8192xf32>
    %mul3A_121 = arith.mulf %mul3A_120, %add3A_106 : vector<16x8192xf32>
    %add3A_122 = arith.addf %add3A_74, %mul3A_121 : vector<16x8192xf32>
    %max3A_123 = arith.maximumf %sub3A_110, %get3A_3 : vector<16x8192xf32>
    %max3A_124 = arith.maximumf %sub3A_114, %get3A_8 : vector<16x8192xf32>
    %min3A_125 = arith.minimumf %add3A_118, %get3A_13 : vector<16x8192xf32>
    %min3A_126 = arith.minimumf %add3A_122, %get3A_18 : vector<16x8192xf32>
    %sub3A_127 = arith.subf %min3A_125, %max3A_123 : vector<16x8192xf32>
    %max3A_128 = arith.constant 0.000000e+00 : f32
    %max3A_129 = vector.broadcast %max3A_128 : f32 to vector<16x8192xf32>
    %max3A_130 = arith.maximumf %sub3A_127, %max3A_129 : vector<16x8192xf32>
    %sub3A_131 = arith.subf %min3A_126, %max3A_124 : vector<16x8192xf32>
    %max3A_132 = arith.constant 0.000000e+00 : f32
    %max3A_133 = vector.broadcast %max3A_132 : f32 to vector<16x8192xf32>
    %max3A_134 = arith.maximumf %sub3A_131, %max3A_133 : vector<16x8192xf32>
    %mul3A_135 = arith.mulf %max3A_130, %max3A_134 : vector<16x8192xf32>
    %sub3A_136 = arith.subf %add3A_118, %sub3A_110 : vector<16x8192xf32>
    %sub3A_137 = arith.subf %add3A_122, %sub3A_114 : vector<16x8192xf32>
    %mul3A_138 = arith.mulf %sub3A_136, %sub3A_137 : vector<16x8192xf32>
    %sub3A_139 = arith.subf %get3A_13, %get3A_3 : vector<16x8192xf32>
    %sub3A_140 = arith.subf %get3A_18, %get3A_8 : vector<16x8192xf32>
    %mul3A_141 = arith.mulf %sub3A_139, %sub3A_140 : vector<16x8192xf32>
    %add3A_142 = arith.addf %mul3A_138, %mul3A_141 : vector<16x8192xf32>
    %sub3A_143 = arith.subf %add3A_142, %mul3A_135 : vector<16x8192xf32>
    %add3A_144 = arith.constant 9.99999997E-7 : f32
    %add3A_145 = vector.broadcast %add3A_144 : f32 to vector<16x8192xf32>
    %add3A_146 = arith.addf %sub3A_143, %add3A_145 : vector<16x8192xf32>
    %add3A_147 = arith.constant 9.99999997E-7 : f32
    %add3A_148 = vector.broadcast %add3A_147 : f32 to vector<16x8192xf32>
    %add3A_149 = arith.addf %add3A_146, %add3A_148 : vector<16x8192xf32>
    %div3A_150 = arith.divf %mul3A_135, %add3A_149 : vector<16x8192xf32>
    %min3A_151 = arith.minimumf %sub3A_110, %get3A_3 : vector<16x8192xf32>
    %min3A_152 = arith.minimumf %sub3A_114, %get3A_8 : vector<16x8192xf32>
    %max3A_153 = arith.maximumf %add3A_118, %get3A_13 : vector<16x8192xf32>
    %max3A_154 = arith.maximumf %add3A_122, %get3A_18 : vector<16x8192xf32>
    %sub3A_155 = arith.subf %max3A_153, %min3A_151 : vector<16x8192xf32>
    %max3A_156 = arith.constant 0.000000e+00 : f32
    %max3A_157 = vector.broadcast %max3A_156 : f32 to vector<16x8192xf32>
    %max3A_158 = arith.maximumf %sub3A_155, %max3A_157 : vector<16x8192xf32>
    %sub3A_159 = arith.subf %max3A_154, %min3A_152 : vector<16x8192xf32>
    %max3A_160 = arith.constant 0.000000e+00 : f32
    %max3A_161 = vector.broadcast %max3A_160 : f32 to vector<16x8192xf32>
    %max3A_162 = arith.maximumf %sub3A_159, %max3A_161 : vector<16x8192xf32>
    %mul3A_163 = arith.mulf %max3A_158, %max3A_162 : vector<16x8192xf32>
    %add3A_164 = arith.constant 9.99999997E-7 : f32
    %add3A_165 = vector.broadcast %add3A_164 : f32 to vector<16x8192xf32>
    %add3A_166 = arith.addf %mul3A_163, %add3A_165 : vector<16x8192xf32>
    %sub3A_167 = arith.subf %add3A_166, %add3A_146 : vector<16x8192xf32>
    %add3A_168 = arith.constant 9.99999997E-7 : f32
    %add3A_169 = vector.broadcast %add3A_168 : f32 to vector<16x8192xf32>
    %add3A_170 = arith.addf %add3A_166, %add3A_169 : vector<16x8192xf32>
    %div3A_171 = arith.divf %sub3A_167, %add3A_170 : vector<16x8192xf32>
    %sub3A_172 = arith.subf %div3A_150, %div3A_171 : vector<16x8192xf32>
    %sub3A_173 = arith.constant 1.000000e+00 : f32
    %sub3A_174 = vector.broadcast %sub3A_173 : f32 to vector<16x8192xf32>
    %sub3A_175 = arith.subf %sub3A_174, %sub3A_172 : vector<16x8192xf32>
    %mul3A_176 = arith.mulf %sub3A_175, %sqrt3A : vector<16x8192xf32>
    %mul3A_177 = arith.mulf %mul3A_176, %get3A_43 : vector<16x8192xf32>
    %reduce_sum3A_178 = vector.shape_cast %mul3A_177 : vector<16x8192xf32> to vector<1x16x8192xf32>
    %reduce_sum3A_179 = arith.constant dense<0.000000e+00> : vector<1xf32>
    %reduce_sum3A_180 = vector.multi_reduction <add>, %reduce_sum3A_178, %reduce_sum3A_179 [1, 2] : vector<1x16x8192xf32> to vector<1xf32>
    %reduce_sum3A_181 = vector.shape_cast %reduce_sum3A_180 : vector<1xf32> to vector<1x1x1xf32>
    %reduce_sum3A_182 = vector.extract %reduce_sum3A_181[0, 0, 0] : f32 from vector<1x1x1xf32>
    %reduce_sum3A_183 = vector.shape_cast %get3A_43 : vector<16x8192xf32> to vector<1x16x8192xf32>
    %reduce_sum3A_184 = arith.constant dense<0.000000e+00> : vector<1xf32>
    %reduce_sum3A_185 = vector.multi_reduction <add>, %reduce_sum3A_183, %reduce_sum3A_184 [1, 2] : vector<1x16x8192xf32> to vector<1xf32>
    %reduce_sum3A_186 = vector.shape_cast %reduce_sum3A_185 : vector<1xf32> to vector<1x1x1xf32>
    %reduce_sum3A_187 = vector.extract %reduce_sum3A_186[0, 0, 0] : f32 from vector<1x1x1xf32>
    %max3A_188 = arith.constant 1.000000e+00 : f32
    %max3A_189 = arith.maximumf %reduce_sum3A_187, %max3A_188 : f32
    %get3A_190 = arith.constant 0 : index
    %get3A_191 = memref.load %arg5[%get3A_190] : memref<1xf32, #tpu.memory_space<smem>>
    %mul3A_192 = arith.constant 2.500000e-01 : f32
    %mul3A_193 = arith.mulf %mul3A_192, %get3A_191 : f32
    %div3A_194 = arith.divf %mul3A_193, %max3A_189 : f32
    %div3A_195 = arith.divf %reduce_sum3A_182, %max3A_189 : f32
    %div3A_196 = arith.divf %reduce_sum3A_60, %max3A_189 : f32
    %mul3A_197 = arith.constant 2.000000e+00 : f32
    %mul3A_198 = arith.mulf %mul3A_197, %div3A_195 : f32
    %add3A_199 = arith.addf %div3A_194, %mul3A_198 : f32
    %add3A_200 = arith.addf %add3A_199, %div3A_196 : f32
    %swap3A = arith.constant 0 : index
    %swap3A_201 = memref.load %arg6[%swap3A] : memref<4xf32, #tpu.memory_space<smem>>
    memref.store %add3A_200, %arg6[%swap3A] : memref<4xf32, #tpu.memory_space<smem>>
    %swap3A_202 = arith.constant 1 : index
    %swap3A_203 = memref.load %arg6[%swap3A_202] : memref<4xf32, #tpu.memory_space<smem>>
    memref.store %div3A_194, %arg6[%swap3A_202] : memref<4xf32, #tpu.memory_space<smem>>
    %swap3A_204 = arith.constant 2 : index
    %swap3A_205 = memref.load %arg6[%swap3A_204] : memref<4xf32, #tpu.memory_space<smem>>
    memref.store %div3A_195, %arg6[%swap3A_204] : memref<4xf32, #tpu.memory_space<smem>>
    %swap3A_206 = arith.constant 3 : index
    %swap3A_207 = memref.load %arg6[%swap3A_206] : memref<4xf32, #tpu.memory_space<smem>>
    memref.store %div3A_196, %arg6[%swap3A_206] : memref<4xf32, #tpu.memory_space<smem>>
    return
  }
}

module attributes {stable_mosaic.version = 14 : i64} {
  func.func @_focal_kernel(%arg0: i32, %arg1: memref<160x8192xf32, #tpu.memory_space<vmem>>, %arg2: memref<160x8192xf32, #tpu.memory_space<vmem>>, %arg3: memref<1xf32, #tpu.memory_space<smem>>, %arg4: memref<1x8192xf32, #tpu.memory_space<vmem>>) attributes {dimension_semantics = [#tpu.dimension_semantics<arbitrary>], iteration_bounds = array<i64: 8>, scalar_prefetch = 0 : i64, scratch_operands = 1 : i64, tpu.core_type = #tpu.core_type<tc>, window_params = [{transform_indices = @transform_0, window_bounds = array<i64: 160, 8192>}, {transform_indices = @transform_1, window_bounds = array<i64: 160, 8192>}, {transform_indices = @transform_2, window_bounds = array<i64: 1>}]} {
    %eq3A = arith.constant 0 : i32
    %eq3A_0 = arith.cmpi eq, %arg0, %eq3A : i32
    %convert_element_type3A = arith.extui %eq3A_0 : i1 to i32
    %cond3A = arith.constant 0 : i32
    %cond3A_1 = arith.cmpi ne, %convert_element_type3A, %cond3A : i32
    scf.if %cond3A_1 {
      %broadcast_in_dim3A_27 = arith.constant 0.000000e+00 : f32
      %broadcast_in_dim3A_28 = vector.broadcast %broadcast_in_dim3A_27 : f32 to vector<1x8192xf32>
      %swap3A_29 = arith.constant 0 : index
      %swap3A_30 = arith.constant 0 : index
      %swap3A_31 = vector.load %arg4[%swap3A_29, %swap3A_30] : memref<1x8192xf32, #tpu.memory_space<vmem>>, vector<1x8192xf32>
      tpu.vector_store %arg4[%swap3A_29, %swap3A_30], %broadcast_in_dim3A_28 {strides = array<i32>} : memref<1x8192xf32, #tpu.memory_space<vmem>>, vector<1x8192xf32>,
    } else {
    }
    %get3A = arith.constant 0 : index
    %get3A_2 = arith.constant 0 : index
    %get3A_3 = vector.load %arg1[%get3A, %get3A_2] : memref<160x8192xf32, #tpu.memory_space<vmem>>, vector<160x8192xf32>
    %get3A_4 = arith.constant 0 : index
    %get3A_5 = arith.constant 0 : index
    %get3A_6 = vector.load %arg2[%get3A_4, %get3A_5] : memref<160x8192xf32, #tpu.memory_space<vmem>>, vector<160x8192xf32>
    %exp3A = math.exp %get3A_3 : vector<160x8192xf32>
    %log1p3A = math.log1p %exp3A : vector<160x8192xf32>
    %mul3A = arith.mulf %get3A_3, %get3A_6 : vector<160x8192xf32>
    %sub3A = arith.subf %log1p3A, %mul3A : vector<160x8192xf32>
    %neg3A = arith.constant 0.000000e+00 : f32
    %neg3A_7 = vector.broadcast %neg3A : f32 to vector<160x8192xf32>
    %neg3A_8 = arith.subf %neg3A_7, %sub3A : vector<160x8192xf32>
    %exp3A_9 = math.exp %neg3A_8 : vector<160x8192xf32>
    %sub3A_10 = arith.constant 1.000000e+00 : f32
    %sub3A_11 = vector.broadcast %sub3A_10 : f32 to vector<160x8192xf32>
    %sub3A_12 = arith.subf %sub3A_11, %exp3A_9 : vector<160x8192xf32>
    %mul3A_13 = arith.mulf %sub3A_12, %sub3A_12 : vector<160x8192xf32>
    %mul3A_14 = arith.mulf %mul3A_13, %sub3A : vector<160x8192xf32>
    %broadcast_in_dim3A = arith.constant 1.000000e+00 : f32
    %broadcast_in_dim3A_15 = vector.broadcast %broadcast_in_dim3A : f32 to vector<1x160xf32>
    %get3A_16 = arith.constant 0 : index
    %get3A_17 = arith.constant 0 : index
    %get3A_18 = vector.load %arg4[%get3A_16, %get3A_17] : memref<1x8192xf32, #tpu.memory_space<vmem>>, vector<1x8192xf32>
    %dot_general3A = arith.constant dense<0.000000e+00> : vector<1x8192xf32>
    %dot_general3A_19 = tpu.matmul %broadcast_in_dim3A_15, %mul3A_14, %dot_general3A {dimension_numbers = #tpu.dot_dimension_numbers<[1], [0], [0], [1], [0, 0, 1, 1], [], []>, transpose_lhs_hint = false} : vector<1x160xf32>, vector<160x8192xf32>, vector<1x8192xf32> -> vector<1x8192xf32>
    %add3A = arith.addf %get3A_18, %dot_general3A_19 : vector<1x8192xf32>
    %swap3A = arith.constant 0 : index
    %swap3A_20 = arith.constant 0 : index
    %swap3A_21 = vector.load %arg4[%swap3A, %swap3A_20] : memref<1x8192xf32, #tpu.memory_space<vmem>>, vector<1x8192xf32>
    tpu.vector_store %arg4[%swap3A, %swap3A_20], %add3A {strides = array<i32>} : memref<1x8192xf32, #tpu.memory_space<vmem>>, vector<1x8192xf32>,
    %eq3A_22 = arith.constant 7 : i32
    %eq3A_23 = arith.cmpi eq, %arg0, %eq3A_22 : i32
    %convert_element_type3A_24 = arith.extui %eq3A_23 : i1 to i32
    %cond3A_25 = arith.constant 0 : i32
    %cond3A_26 = arith.cmpi ne, %convert_element_type3A_24, %cond3A_25 : i32
    scf.if %cond3A_26 {
      %get3A_27 = arith.constant 0 : index
      %get3A_28 = arith.constant 0 : index
      %get3A_29 = vector.load %arg4[%get3A_27, %get3A_28] : memref<1x8192xf32, #tpu.memory_space<vmem>>, vector<1x8192xf32>
      %reduce_sum3A = vector.shape_cast %get3A_29 : vector<1x8192xf32> to vector<1x1x8192xf32>
      %reduce_sum3A_30 = arith.constant dense<0.000000e+00> : vector<1xf32>
      %reduce_sum3A_31 = vector.multi_reduction <add>, %reduce_sum3A, %reduce_sum3A_30 [1, 2] : vector<1x1x8192xf32> to vector<1xf32>
      %reduce_sum3A_32 = vector.shape_cast %reduce_sum3A_31 : vector<1xf32> to vector<1x1x1xf32>
      %reduce_sum3A_33 = vector.extract %reduce_sum3A_32[0, 0, 0] : f32 from vector<1x1x1xf32>
      %swap3A_34 = arith.constant 0 : index
      %swap3A_35 = memref.load %arg3[%swap3A_34] : memref<1xf32, #tpu.memory_space<smem>>
      memref.store %reduce_sum3A_33, %arg3[%swap3A_34] : memref<1xf32, #tpu.memory_space<smem>>
    } else {
    }
    return
  }
  func.func @transform_0(%arg0: i32) -> (i32, i32) {
    %c0_i32 = arith.constant 0 : i32
    %c0_i32_0 = arith.constant 0 : i32
    return %arg0, %c0_i32 : i32, i32
  }
  func.func @transform_1(%arg0: i32) -> (i32, i32) {
    %c0_i32 = arith.constant 0 : i32
    %c0_i32_0 = arith.constant 0 : i32
    return %arg0, %c0_i32 : i32, i32
  }
  func.func @transform_2(%arg0: i32) -> i32 {
    %c0_i32 = arith.constant 0 : i32
    %c0_i32_0 = arith.constant 0 : i32
    return %c0_i32 : i32
  }
}

</mosaic_0001>

<sc_bundles>
// kernel: kernel.5.cloned.1.call-start
scs
__scs_entry_jumppad:
0x0: {  	(pc) =	sbr.rel $0x88, $3  }
0x1: {  	(tag) =	ssettag $0x0;
	lr =	simm.s32 $0x1  }
0x2: {  	[smem:$0x3F99] =	sst lr;
	_ =	strace $0xD0000000  }
0x3: {  	_ = 	snop  }
0x4: {  	_ = 	snop  }
0x5: {  	_ = 	snop  }
0x6: {  	_ = 	snop  }
0x7: {  	_ = 	snop  }
__scs_overlays_trampoline_lowered:
0x8: {  	[smem:$0x3FA8] =	sst s0  }
0x9: {  	[smem:$0x3FA9] =	sst s1  }
0xa: {  	[smem:$0x3FAA] =	sst s2  }
0xb: {  	[smem:$0x3FAB] =	sst s3  }
0xc: {  	[smem:$0x3FAC] =	sst s4  }
0xd: {  	[smem:$0x3FAD] =	sst s5  }
0xe: {  	[smem:$0x3FAE] =	sst s6  }
0xf: {  	[smem:$0x3FAF] =	sst s7  }
0x10: {  	[smem:$0x3FB0] =	sst s8  }
0x11: {  	[smem:$0x3FB1] =	sst s9;
	s0 =	simm.s32 @!p0 $0x0  }
0x12: {  	s1 =	sld [smem:$0x3F97];
	s0 =	simm.s32 @p0 $0x1  }
0x13: {  	[smem:$0x3FB2] =	sst s0;
	s0 =	simm.s32 @!p1 $0x0  }
0x14: {  	s2 =	sld [smem:$0x3F96];
	s0 =	simm.s32 @p1 $0x1  }
0x15: {  	[smem:$0x3FB3] =	sst s0;
	s0 =	simm.s32 @!p2 $0x0  }
0x16: {  	s3 =	sld [smem:$0x3FDB];
	s0 =	simm.s32 @p2 $0x1  }
0x17: {  	s4 =	simm.s32 $0x1BF5;
	[smem:$0x3FB5] =	sst s0  }
0x18: {  	s0 =	sld [smem:$0x3F98];
	_ =	swait.ge [sflag:s4], $0x0  }
0x19: {  	s7 =	sld [smem:$0x3F99]  }
0x1a: {  	s8 =	sadd.s32 $0xFFFFE003, lr  }
0x1b: {  	s9 =	sadd.s32 $0xFFFFFEF7, lr;
	s5 =	simm.s32 $0xFFFFFFFF;
	p2 =	slt.u32 s8, $0xFFFFF086  }
0x1c: {  	p1 =	slt.u32 s9, $0xF7A;
	s5 =	simm.s32 @!p2 $0x0  }
0x1d: {  	s5 =	simm.s32 @p1 $0x1;
	p0 =	seq.s32 s7, s2  }
0x1e: {  	s7 =	smul.u32 @!p0 $0xF7A, s2;
	p2 =	seq.s32 @!p0 s5, $0x0  }
0x1f: {  	s9 =	smul.u32 $0xF7A, s1;
	s8 =	simm.s32 @!p0 $0x1BF5;
	p2 =	por !p2, p0  }
0x20: {  	[sflag:s8] =	ssyncset.s32 @!p0 $0xFFFFF086;
	s6 =	sadd.s32 @!p0 s3, s7;
	s7 =	simm.s32 @!p0 $0x108  }
0x21: {  	s3 =	sadd.s32 s3, s9;
	s6 =	sadd.s32 @!p0 $0x88, s6;
	s7 =	simm.s32 @p2 $0x1082  }
0x22: {  	[simem:s7], [sflag:s8] =	dma.local @!p0 [hbm:s6], $0xF7A  }
0x23: {  	s9 =	sor.u32 $0xD0000000, s2;
	s6 =	simm.s32 $0x108;
	_ =	swait.ge @!p0 [sflag:s8], $0x0  }
0x24: {  	s3 =	sadd.s32 $0x88, s3;
	s6 =	simm.s32 @!p1 $0x1082;
	[sflag:s4] =	ssyncset.s32 $0xFFFFF086  }
0x25: {  	[simem:s6], [sflag:s4] =	dma.local [hbm:s3], $0xF7A  }
0x26: {  	[smem:$0x3F99] =	sst s1;
	(tag) =	ssettag s2;
	_ =	strace s9  }
0x27: {  	s1 =	sld [smem:$0x3FA9]  }
0x28: {  	s2 =	sld [smem:$0x3FAA]  }
0x29: {  	s4 =	sld [smem:$0x3FAC]  }
0x2a: {  	p0 =	seq.s32 s5, $0x0;
	s5 =	sld [smem:$0x3FAD]  }
0x2b: {  	s6 =	sld [smem:$0x3FAE]  }
0x2c: {  	s7 =	sld [smem:$0x3FAF]  }
0x2d: {  	s3 =	simm.s32 $0x108;
	s8 =	sld [smem:$0x3FB0]  }
0x2e: {  	s3 =	simm.s32 @!p0 $0x1082;
	s9 =	sld [smem:$0x3FB1]  }
0x2f: {  	lr =	sadd.s32 s0, s3;
	s0 =	sld [smem:$0x3FA8]  }
0x30: {  	s3 =	sld [smem:$0x3FAB]  }
0x31: {  	[smem:$0x3FB4] =	sst s10  }
0x32: {  	s10 =	sld [smem:$0x3FB2];
	_ =	sdelay $0x3  }
0x33: {  	p0 =	seq.s32 s10, $0x1;
	s10 =	sld [smem:$0x3FB4];
	_ =	sdelay $0x3  }
0x34: {  	[smem:$0x3FB4] =	sst s10  }
0x35: {  	s10 =	sld [smem:$0x3FB3];
	_ =	sdelay $0x3  }
0x36: {  	p1 =	seq.s32 s10, $0x1;
	s10 =	sld [smem:$0x3FB4];
	_ =	sdelay $0x3  }
0x37: {  	[smem:$0x3FB4] =	sst s10  }
0x38: {  	s10 =	sld [smem:$0x3FB5]  }
0x39: {  	_ = 	snop;
	(pc) =	sbr.ind lr, $3  }
0x3a: {  	_ = 	snop  }
0x3b: {  	_ = 	snop  }
0x3c: {  	p2 =	seq.s32 s10, $0x1;
	s10 =	sld [smem:$0x3FB4]  }
0x3d: {  	_ =	shalt  }
0x3e: {  	_ =	shalt  }
0x3f: {  	_ =	shalt  }
0x40: {  	_ =	shalt  }
0x41: {  	_ =	shalt  }
0x42: {  	_ =	shalt  }
0x43: {  	_ =	shalt  }
0x44: {  	_ =	shalt  }
0x45: {  	_ =	shalt  }
0x46: {  	_ =	shalt  }
0x47: {  	_ =	shalt  }
0x48: {  	_ =	shalt  }
0x49: {  	_ =	shalt  }
0x4a: {  	_ =	shalt  }
0x4b: {  	_ =	shalt  }
0x4c: {  	_ =	shalt  }
0x4d: {  	_ =	shalt  }
0x4e: {  	_ =	shalt  }
0x4f: {  	_ =	shalt  }
0x50: {  	_ =	shalt  }
0x51: {  	_ =	shalt  }
0x52: {  	_ =	shalt  }
0x53: {  	_ =	shalt  }
0x54: {  	_ =	shalt  }
0x55: {  	_ =	shalt  }
0x56: {  	_ =	shalt  }
0x57: {  	_ =	shalt  }
0x58: {  	_ =	shalt  }
0x59: {  	_ =	shalt  }
0x5a: {  	_ =	shalt  }
0x5b: {  	_ =	shalt  }
0x5c: {  	_ =	shalt  }
0x5d: {  	_ =	shalt  }
0x5e: {  	_ =	shalt  }
0x5f: {  	_ =	shalt  }
0x60: {  	_ =	shalt  }
0x61: {  	_ =	shalt  }
0x62: {  	_ =	shalt  }
0x63: {  	_ =	shalt  }
0x64: {  	_ =	shalt  }
0x65: {  	_ =	shalt  }
0x66: {  	_ =	shalt  }
0x67: {  	_ =	shalt  }
0x68: {  	_ =	shalt  }
0x69: {  	_ =	shalt  }
0x6a: {  	_ =	shalt  }
0x6b: {  	_ =	shalt  }
0x6c: {  	_ =	shalt  }
0x6d: {  	_ =	shalt  }
0x6e: {  	_ =	shalt  }
0x6f: {  	_ =	shalt  }
0x70: {  	_ =	shalt  }
0x71: {  	_ =	shalt  }
0x72: {  	_ =	shalt  }
0x73: {  	_ =	shalt  }
0x74: {  	_ =	shalt  }
0x75: {  	_ =	shalt  }
0x76: {  	_ =	shalt  }
0x77: {  	_ =	shalt  }
0x78: {  	_ =	shalt  }
0x79: {  	_ =	shalt  }
0x7a: {  	_ =	shalt  }
0x7b: {  	_ =	shalt  }
0x7c: {  	_ =	shalt  }
0x7d: {  	_ =	shalt  }
0x7e: {  	_ =	shalt  }
0x7f: {  	_ =	shalt  }
0x80: {  	_ =	shalt  }
0x81: {  	_ =	shalt  }
0x82: {  	_ =	shalt  }
0x83: {  	_ =	shalt  }
0x84: {  	_ =	shalt  }
0x85: {  	_ =	shalt  }
0x86: {  	_ =	shalt  }
0x87: {  	_ =	shalt  }
.Lfunc_end0:
.L_simem_size_0:
called_computation_lowered:
.L_overlay_start_0:
0x88: {  	s2 =	sld [smem:$0x3FD9]  }
0x89: {  	s3 =	sld [smem:$0x3FFE];
	_ =	sdelay $0x1  }
0x8a: {  	s1 =	srdreg.scid  }
0x8b: {  	s0 =	sand.u32 $0x1, s1  }
0x8c: {  	s17 =	sshll.u32 s0, $0xA;
	s2 =	sadd.s32 s3, s2  }
0x8d: {  	s2 =	sadd.s32 s2, s17  }
0x8e: {  	[smem:$0x3FC0] =	sst s2  }
0x8f: {  	_ = 	snop  }
0x90: {  	s2 =	sld [smem:$0x3FC2];
	(tm) =	ssettm $0x1  }
0x91: {  	s18 =	sld [smem:$0x3FFB];
	_ =	sdelay $0x3  }
0x92: {  	_ =	strace s18  }
0x93: {  	s3 =	sld [smem:$0x3FFC];
	_ =	sdelay $0x3  }
0x94: {  	_ =	strace s3  }
0x95: {  	s3 =	sld [smem:$0x3FFD];
	_ =	sdelay $0x3  }
0x96: {  	_ =	strace s3  }
0x97: {  	_ =	strace $0x8FFFFFFF  }
0x98: {  	s19 =	sld [smem:$0x3FDB];
	_ =	sdelay $0x1  }
0x99: {  	s4 =	simm.s32 $_scs_section_size  }
0x9a: {  	s5 =	simm.s32 $_size__tile_overlayer_lowered;
	s6 =	simm.s32 $_tile_overlayer_lowered  }
0x9b: {  	s22 =	simm.s32 $0x1BFF;
	s21 =	sshll.u32 s6, $0x1;
	s3 =	sadd.s32 s4, s19  }
0x9c: {  	s7 =	simm.s32 $0x0;
	s20 =	sshll.u32 s5, $0x1;
	s5 =	sadd.s32 s21, s3  }
0x9d: {  	[timem:s7], [sflag:s22] =	dma.local [hbm:s5], s20  }
0x9e: {  	_ =	swait.ge [sflag:s22], s20  }
0x9f: {  	s4 =	ssub.s32 $0x0, s20;
	[sflag:s22] =	ssyncset.done $0x0  }
0xa0: {  	[sflag:s22] =	ssyncadd.s32 s4;
	_ =	sdelay $0x1  }
0xa1: {  	s23 =	simm.s32 $0x1B8B  }
0xa2: {  	_ =	swait.ge [sflag:s23], $0x1  }
0xa3: {  	[sflag:s23] =	ssyncset.done $0x0  }
0xa4: {  	s25 =	simm.s32 $0x1B8E;
	s24 =	sld [smem:$0x3FFE];
	[sflag:s23] =	ssyncadd.s32 $0xFFFFFFFF  }
0xa5: {  	s26 =	simm.s32 $execute0_lowered;
	[smem:$0x3FD2] =	sst s25  }
0xa6: {  	s5 =	sshll.u32 s26, $0x1;
	_ =	strace $0x80000046;
	[dreg:$0x1] =	wrdreg $0xFFFFFFFF  }
0xa7: {  	s28 =	simm.s32 $_size_execute0_lowered;
	s3 =	sadd.s32 s3, s5;
	[dreg:$0x0] =	wrdreg $0x0  }
0xa8: {  	s5 =	sshll.u32 s28, $0x1;
	[dreg:$0x2] =	wrdreg s3  }
0xa9: {  	[dreg:$0x3] =	wrdreg s5  }
0xaa: {  	[dreg:$0x4] =	wrdreg $0xC0  }
0xab: {  	_ =	task [dreg:s7], $0x5FFFF  }
0xac: {  	[dreg:$0x1] =	wrdreg $0xFFFFFFFF  }
0xad: {  	[dreg:$0x0] =	wrdreg $0x60  }
0xae: {  	[dreg:$0x2] =	wrdreg s24  }
0xaf: {  	[dreg:$0x3] =	wrdreg s2  }
0xb0: {  	[dreg:$0x4] =	wrdreg $0x9  }
0xb1: {  	_ =	task.clear_ibuf [dreg:s7], $0x5FFFF;
	_ =	strace $0x90000046  }
0xb2: {  	s29 =	simm.s32 $0x9;
	_ =	strace $0x80000048  }
0xb3: {  	_ =	swait.ge [sflag:s29], $0x1  }
0xb4: {  	[sflag:s29] =	ssyncadd.s32 $0xFFFFFFFF  }
0xb5: {  	_ =	strace $0x90000048  }
0xb6: {  	_ =	sfence  }
0xb7: {  	s30 =	sld [smem:$0x0];
	_ =	sdelay $0x2  }
0xb8: {  	s31 =	sshll.u32 s1, $0xD;
	s1 =	sshrl.u32 s1, $0x2  }
0xb9: {  	s3 =	sand.u32 $0x4000, s31;
	s1 =	sadd.s32 s1, s30  }
0xba: {  	s0 =	sor.u32 s3, s0;
	s1 =	sshll.u32 s1, $0x11  }
0xbb: {  	s0 =	sor.u32 s1, s0  }
0xbc: {  	s0 =	sadd.s32 $0x8F2B, s0  }
0xbd: {  	[sflag:s0] =	ssyncadd.remote.s32 $0x1  }
0xbe: {  	_ =	sfence.sel $0xFFFF  }
0xbf: {  	[dreg:$0x0] =	wrdreg $0xFFFFFFFF;
	(pc) =	sbr.abs _section_cstart, $3  }
0xc0: {  	[dreg:$0x1] =	wrdreg $0xFFFFFFFF  }
0xc1: {  	_ =	task.clear_ibuf [dreg:s7], $0x2FFFF;
	_ =	strace $0x9FFFFFFF  }
0xc2: {  	(tm) =	ssettm $0x7FFFFFFF  }
0xc3: {  	_ =	shalt  }
tec
execute0_lowered:
.L_overlay_start_1:
0x0: {  	(tag) =	ssettag $0x1  }
0x1: {  	s0 =	srdreg.scid  }
0x2: {  	s5 =	rddreg [dreg:$0x0];
	s4 =	sand.u32 $0x1, s0;
	s0 =	stileid.u32  }
0x3: {  	s6 =	rddreg [dreg:$0x1];
	s1 =	sshll.u32 s4, $0x4;
	s2 =	sand.u32 $0x1, s0  }
0x4: {  	s11 =	sshll.u32 s0, $0x5;
	s4 =	ssub.s32 $0x2, s4;
	s1 =	sor.u32 s0, s1  }
0x5: {  	p1 =	seq.s32 s2, $0x1;
	s2 =	simm.s32 $0x1;
	p0 =	seq.s32 s1, $0x0  }
0x6: {  	s11 =	sand.u32 $0x20, s11;
	s29 =	sshrl.u32 s4, $0x1;
	p0 =	por !p0, !p1  }
0x7: {  	s3 =	sshrl.u32 s1, $0x1;
	s1 =	rddreg [dreg:$0x2];
	p0 =	por !p0, !p0  }
0x8: {  	s12 =	sshll.u32 s11, $0x9;
	s11 =	sshll.u32 s11, $0xA;
	s2 =	simm.s32 @!p0 $0x0  }
0x9: {  	s30 =	ssub.s32 s4, s29;
	s7 =	ssub.s32 s3, s2;
	s2 =	simm.s32 $0x0  }
0xa: {  	s8 =	sshrl.u32 s7, $0x3;
	s3 =	sshll.u32 s7, $0x7;
	[smem:$0x7FF] =	sst s2  }
0xb: {  	s7 =	sshll.u32 s7, $0xF;
	s9 =	sshll.u32 s8, $0xB;
	s10 =	sand.u32 $0x380, s3  }
0xc: {  	_ =	strace $0x80000047;
	s3 =	simm.s32 $0x1;
	s8 =	sshll.u32 s8, $0x10  }
0xd: {  	s7 =	sor.u32 s12, s7;
	s12 =	simm.s32 $0x0;
	s9 =	sor.u32 s10, s9  }
0xe: {  	s8 =	sor.u32 s11, s8;
	s7 =	sshrl.u32 s7, $0x3;
	s11 =	simm.s32 $0x1100  }
0xf: {  	s9 =	sshrl.u32 s9, $0x3;
	s8 =	sor.u32 s10, s8;
	s7 =	sadd.s32 s7, s5  }
0x10: {  	s10 =	simm.s32 $0x100;
	s9 =	sadd.s32 s9, s5;
	s31 =	sshrl.u32 s8, $0x3  }
0x11: {  	s8 =	simm.s32 $0x80;
	s4 =	sadd.s32 $0xE00, s9;
	s5 =	sadd.s32 s6, s31  }
0x12: {  	s6 =	sadd.s32 $0x1000, s7;
	s7 =	smax.u32 s30, $0x1;
	s9 =	simm.s32 $0x400  }
.LBB2_1:
0x13: {  	[tilespmem:s2], [sflag:$0x1] =	stream.strided.gather [hbm4b:s4+s8], $0x100, s9, s8, $0x38;
	[tilespmem:$0x5100] =	vst v63  }
0x14: {  	_ =	swait.ge [sflag:s3], $0x100  }
0x15: {  	[sflag:s3] =	ssyncset.done $0x0  }
0x16: {  	[sflag:s3] =	ssyncadd.s32 $0xFFFFFF00  }
0x17: {  	[tilespmem:s10], [sflag:$0x1] =	stream.strided.gather [hbm4b:s5+s8], $0x1000, s9, s8, $0x38;
	[tilespmem:$0x5100] =	vst v63  }
0x18: {  	_ =	swait.ge [sflag:s3], $0x1000  }
0x19: {  	[sflag:s3] =	ssyncset.done $0x0  }
0x1a: {  	s13 =	simm.s32 $0x0;
	[sflag:s3] =	ssyncadd.s32 $0xFFFFF000  }
0x1b: {  	v0 =	vld [tilespmem:s13+$0x100];
	_ =	sdelay $0x4  }
0x1c: {  	v0 =	vshll.u32 v0, $0x2;
	_ =	sdelay $0x4  }
0x1d: {  	v1 =	vld.idx.msk [tilespmem:v0+s2+$0x0], $0xffff  }
0x1e: {  	v2 =	vor.u32 $0x1, v0;
	_ =	sdelay $0x1  }
0x1f: {  	s31 =	sand.u32 $0x70, s2;
	s14 =	sand.u32 $0x3E00, s2  }
0x20: {  	s16 =	sor.u32 s31, s14  }
0x21: {  	[tilespmem:s16+$0x1100] =	vst v1  }
0x22: {  	v1 =	vld.idx.msk [tilespmem:v2+s2+$0x0], $0xffff  }
0x23: {  	v2 =	vor.u32 $0x2, v0;
	_ =	sdelay $0x3  }
0x24: {  	[tilespmem:s16+$0x1180] =	vst v1  }
0x25: {  	v1 =	vld.idx.msk [tilespmem:v2+s2+$0x0], $0xffff  }
0x26: {  	v0 =	vor.u32 $0x3, v0;
	_ =	sdelay $0x3  }
0x27: {  	[tilespmem:s16+$0x1200] =	vst v1  }
0x28: {  	v0 =	vld.idx.msk [tilespmem:v0+s2+$0x0], $0xffff;
	_ =	sdelay $0x2  }
0x29: {  	s15 =	simm.s32 $0x20;
	s14 =	simm.s32 $0x40;
	s13 =	simm.s32 $0x10  }
.LBB2_2:
0x2a: {  	p0 =	sne.s32 s15, $0xFF0  }
0x2b: {  	s17 =	sshra.s32 s14, $0x2;
	[tilespmem:s16+$0x1280] =	vst v0;
	s16 =	smov.u32 s15;
	s15 =	sadd.s32 $0x10, s15  }
0x2c: {  	v0 =	vld [tilespmem:s17+$0x100];
	_ =	sdelay $0x4  }
0x2d: {  	v0 =	vshll.u32 v0, $0x2;
	_ =	sdelay $0x4  }
0x2e: {  	v1 =	vld.idx.msk [tilespmem:v0+s2+$0x0], $0xffff;
	_ =	sdelay $0x1  }
0x2f: {  	v2 =	vor.u32 $0x1, v0;
	_ =	sdelay $0x1  }
0x30: {  	s18 =	sand.u32 $0x3E00, s14;
	s17 =	sand.u32 $0x70, s13;
	s13 =	smov.u32 s16  }
0x31: {  	s16 =	sor.u32 s17, s18  }
0x32: {  	[tilespmem:s16+$0x1100] =	vst v1  }
0x33: {  	v1 =	vld.idx.msk [tilespmem:v2+s2+$0x0], $0xffff;
	_ =	sdelay $0x1  }
0x34: {  	v2 =	vor.u32 $0x2, v0;
	_ =	sdelay $0x3  }
0x35: {  	[tilespmem:s16+$0x1180] =	vst v1  }
0x36: {  	v1 =	vld.idx.msk [tilespmem:v2+s2+$0x0], $0xffff;
	_ =	sdelay $0x1  }
0x37: {  	v0 =	vor.u32 $0x3, v0;
	_ =	sdelay $0x3  }
0x38: {  	[tilespmem:s16+$0x1200] =	vst v1  }
0x39: {  	v0 =	vld.idx.msk [tilespmem:v0+s2+$0x0], $0xffff  }
.Ltmp0:
0x3a: {  	(pc) =	sbr.rel @p0 .LBB2_2-.Ltmp0, $2  }
0x3b: {  	_ =	sdelay $0x2  }
0x3c: {  	s14 =	sadd.s32 $0x40, s14  }
0x3d: {  	s15 =	sshra.s32 s14, $0x2;
	[tilespmem:s16+$0x1280] =	vst v0  }
0x3e: {  	v0 =	vld [tilespmem:s15+$0x100];
	_ =	sdelay $0x4  }
0x3f: {  	v0 =	vshll.u32 v0, $0x2;
	_ =	sdelay $0x4  }
0x40: {  	v1 =	vld.idx.msk [tilespmem:v0+s2+$0x0], $0xffff  }
0x41: {  	v2 =	vor.u32 $0x1, v0;
	_ =	sdelay $0x1  }
0x42: {  	s13 =	sand.u32 $0x70, s13;
	s31 =	sand.u32 $0x3E00, s14  }
0x43: {  	s13 =	sor.u32 s13, s31  }
0x44: {  	[tilespmem:s13+$0x1100] =	vst v1  }
0x45: {  	v1 =	vld.idx.msk [tilespmem:v2+s2+$0x0], $0xffff  }
0x46: {  	v63 =	vor.u32 $0x2, v0;
	_ =	sdelay $0x3  }
0x47: {  	[tilespmem:s13+$0x1180] =	vst v1  }
0x48: {  	v1 =	vld.idx.msk [tilespmem:v63+s2+$0x0], $0xffff  }
0x49: {  	v0 =	vor.u32 $0x3, v0;
	_ =	sdelay $0x3  }
0x4a: {  	[tilespmem:s13+$0x1200] =	vst v1  }
0x4b: {  	v0 =	vld.idx.msk [tilespmem:v0+s2+$0x0], $0xffff;
	_ =	sdelay $0x2  }
0x4c: {  	s12 =	sadd.s32 $0x1, s12  }
0x4d: {  	p0 =	sne.s32 s12, s7  }
.Ltmp1:
0x4e: {  	[tilespmem:s13+$0x1280] =	vst v0;
	(pc) =	sbr.rel @p0 .LBB2_1-.Ltmp1, $4  }
0x4f: {  	[hbm4b:s6+s2] =	stream.linear.scatter [tilespmem:s11], [sflag:$0x1], $0x4000, $0x38;
	[tilespmem:$0x5100] =	vst v63  }
0x50: {  	_ =	swait.ge [sflag:s3], $0x4000  }
0x51: {  	[sflag:s3] =	ssyncset.done $0x0  }
0x52: {  	[sflag:s3] =	ssyncadd.s32 $0xFFFFC000  }
0x53: {  	_ =	sfence.sel $0x180000  }
0x54: {  	[bflag:$0x0] =	sbarrier.arrive $0xFFFF  }
0x55: {  	p0 =	sne.s32 s0, $0x0;
	_ =	strace $0x90000047  }
0x56: {  	s0 =	sadd.s32 @!p0 $0x100000, s1;
	[bflag:$0x2] =	sbarrier.arrive $0xFFFF  }
0x57: {  	[sflag:s0] =	ssyncadd.tile.s32 @!p0 $0x1;
	_ =	shalt  }
.Lfunc_end2:
_tile_overlayer_lowered:
.L_overlay_start_2:
0x58: {  	(tag) =	ssettag $0x2  }
0x59: {  	s0 =	rddreg [dreg:$0x0];
	s2 =	stileid.u32  }
0x5a: {  	s1 =	rddreg [dreg:$0x1];
	p0 =	sne.s32 s2, $0x0  }
0x5b: {  	s3 =	rddreg [dreg:$0x2];
	[bflag:$0x3] =	sbarrier.arrive $0xFFFF;
	s2 =	simm.s32 @!p0 $0x1C01  }
0x5c: {  	[timem:s3], [sflag:s2] =	dma.local @!p0 [hbm:s0], s1  }
0x5d: {  	s0 =	simm.s32 @!p0 $0x1  }
0x5e: {  	_ =	swait.ge @!p0 [sflag:s0], s1  }
0x5f: {  	s1 =	ssub.s32 @!p0 $0x0, s1;
	[sflag:s0] =	ssyncset.done @!p0 $0x0  }
0x60: {  	[sflag:s0] =	ssyncadd.s32 @!p0 s1  }
0x61: {  	[bflag:$0x3] =	sbarrier.arrive $0xFFFF  }
0x62: {  	_ =	shalt  }

</sc_bundles>
